<compile_context>
chip_gen: v7x
topology: tpu7x:2x2x1
jax: 0.10.2.dev20260603
libtpu: 0.0.44.dev20260713+nightly
codegen_flags: <defaults>
</compile_context>

<pallas_src>
import numpy as np
import jax
import jax.numpy as jnp
from jax import lax
from jax.experimental import pallas as pl

_H13, _W13, _H7, _W7 = 13, 13, 7, 7

_base3 = np.array(
    [[1, 0], [3, 0], [5, 0], [7, 0], [9, 0], [11, 0],
     [0, 2], [2, 2], [4, 2], [6, 2], [8, 2], [10, 2], [12, 2],
     [1, 4], [3, 4], [5, 4], [7, 4], [9, 4], [11, 4],
     [2, 6], [4, 6], [6, 6], [8, 6], [10, 6],
     [3, 8], [5, 8], [7, 8], [9, 8],
     [4, 10], [6, 10], [8, 10],
     [5, 12], [7, 12]], dtype=np.int64)
_basex = _base3[:, 0]
_basey = _base3[:, 1]
_bxm = np.maximum(_basex - 1, 0)
_bxp = np.minimum(_basex + 1, _H13 - 1)
_bym = np.maximum(_basey - 1, 0)
_byp = np.minimum(_basey + 1, _W13 - 1)
_m3y = _basey // 2
_m3x = _basex // 2 + (_m3y + 1) % 2

_dp2_ev = np.array(
    [[4, 0], [6, 0], [10, 0], [2, 0], [8, 0],
     [5, 2], [7, 2], [3, 2], [9, 2], [1, 2], [11, 2],
     [2, 4], [8, 4], [10, 4], [6, 4], [4, 4],
     [7, 6], [9, 6], [5, 6], [3, 6],
     [4, 8], [6, 8], [8, 8],
     [5, 10], [7, 10],
     [6, 12]], dtype=np.int64)
_dp2_ev_half = _dp2_ev // 2
_dp2_ev_x1 = np.minimum(_dp2_ev_half[:, 0], _H7 - 1)
_dp2_ev_x2 = np.maximum(_dp2_ev_half[:, 0] - 1, 0)
_dp2_ev_y = _dp2_ev_half[:, 1]

_dp2_uv = np.array(
    [[5, 1], [6, 1], [7, 1], [3, 1], [0, 1], [4, 1], [9, 1], [2, 1], [10, 1],
     [1, 1], [11, 1], [8, 1],
     [6, 3], [3, 3], [7, 3], [4, 3], [8, 3], [2, 3], [9, 3], [1, 3], [10, 3],
     [0, 3], [11, 3], [5, 3],
     [6, 5], [4, 5], [10, 5], [1, 5], [9, 5], [5, 5], [2, 5], [8, 5], [7, 5],
     [3, 5],
     [4, 7], [6, 7], [9, 7], [5, 7], [8, 7], [3, 7], [7, 7], [2, 7],
     [6, 9], [5, 9], [7, 9], [8, 9], [3, 9], [4, 9],
     [4, 11], [7, 11], [5, 11], [6, 11]], dtype=np.int64)
_dp2_uv_avg = np.array(
    [[[ii, max(jj - 1, 0)], [ii, min(jj + 1, _W13 - 1)],
      [min(ii + 1, _H13 - 1), max(jj - 1, 0)],
      [min(ii + 1, _H13 - 1), min(jj + 1, _W13 - 1)]]
     for ii, jj in _dp2_uv], dtype=np.int64)

_N = _H13 * _W13


def _flat(x, y):
    return int(x) * _W13 + int(y)


_B0 = np.zeros((_N, _N), np.float32)
for _v in range(len(_base3)):
    _r = _flat(_basex[_v], _basey[_v])
    for _gx, _gy in ((_basex[_v], _basey[_v]), (_bxm[_v], _basey[_v]),
                     (_bxp[_v], _basey[_v]), (_basex[_v], _byp[_v]),
                     (_basex[_v], _bym[_v]), (_bxm[_v], _byp[_v]),
                     (_bxm[_v], _bym[_v])):
        _B0[_r, _flat(_gx, _gy)] += np.float32(1.0 / 7.0)

_coarse = {(int(_m3x[_v]), int(_m3y[_v])): _v for _v in range(len(_base3))}

_Sev1 = np.zeros((_N, _N), np.float32)
_Sev2 = np.zeros((_N, _N), np.float32)
for _k in range(len(_dp2_ev)):
    _r = _flat(_dp2_ev[_k, 0], _dp2_ev[_k, 1])
    _v = _coarse.get((int(_dp2_ev_x1[_k]), int(_dp2_ev_y[_k])))
    if _v is not None:
        _Sev1[_r, _flat(_basex[_v], _basey[_v])] += 1.0
    _v = _coarse.get((int(_dp2_ev_x2[_k]), int(_dp2_ev_y[_k])))
    if _v is not None:
        _Sev2[_r, _flat(_basex[_v], _basey[_v])] += 1.0
_Sev = _Sev1 + _Sev2

_Suvj = [np.zeros((_N, _N), np.float32) for _ in range(4)]
for _k in range(len(_dp2_uv)):
    _r = _flat(_dp2_uv[_k, 0], _dp2_uv[_k, 1])
    for _j in range(4):
        _Suvj[_j][_r, _flat(_dp2_uv_avg[_k, _j, 0], _dp2_uv_avg[_k, _j, 1])] += 1.0
_Suv = _Suvj[0] + _Suvj[1] + _Suvj[2] + _Suvj[3]

_B0T = np.ascontiguousarray(_B0.T)
_GB1 = np.ascontiguousarray((_Sev1 @ _B0).T)
_GB2 = np.ascontiguousarray((_Sev2 @ _B0).T)
_CEV = np.ascontiguousarray((_Sev @ _B0).T)
_S1T = np.ascontiguousarray(_Suvj[0].T)
_S2T = np.ascontiguousarray(_Suvj[1].T)
_S3T = np.ascontiguousarray(_Suvj[2].T)
_S4T = np.ascontiguousarray(_Suvj[3].T)
_SUVT = np.ascontiguousarray(_Suv.T)


def _prep_body(x0_ref, b0t_ref, gb1_ref, gb2_ref, cev_ref, suvt_ref,
               s1_ref, s2_ref, s3_ref, s4_ref, at_ref):
    x0 = x0_ref[:]
    b0t = b0t_ref[:]
    f32 = jnp.float32
    hi = lax.Precision.HIGHEST
    d0 = jnp.dot(x0, b0t, precision=hi, preferred_element_type=f32)
    g1 = jnp.dot(x0, gb1_ref[:], precision=hi, preferred_element_type=f32)
    g2 = jnp.dot(x0, gb2_ref[:], precision=hi, preferred_element_type=f32)
    cnt = (g1 != 0).astype(f32) + (g2 != 0).astype(f32)
    vev = 1.0 / jnp.maximum(cnt, 1.0)
    d1 = d0 + (g1 + g2) * vev
    h1 = jnp.dot(d1, s1_ref[:], precision=hi, preferred_element_type=f32)
    h2 = jnp.dot(d1, s2_ref[:], precision=hi, preferred_element_type=f32)
    h3 = jnp.dot(d1, s3_ref[:], precision=hi, preferred_element_type=f32)
    h4 = jnp.dot(d1, s4_ref[:], precision=hi, preferred_element_type=f32)
    cntu = ((h1 != 0).astype(f32) + (h2 != 0).astype(f32)
            + (h3 != 0).astype(f32) + (h4 != 0).astype(f32))
    vuv = 1.0 / jnp.maximum(cntu, 1.0)
    a1t = b0t + cev_ref[:] * vev
    duv = jnp.dot(a1t, suvt_ref[:], precision=hi, preferred_element_type=f32)
    at_ref[:] = a1t + duv * vuv


def _apply_body(x_ref, at_ref, o_ref):
    o_ref[:] = jnp.dot(x_ref[:], at_ref[:],
                       preferred_element_type=jnp.float32).astype(o_ref.dtype)


_BM = 16384

_RI = np.arange(_N, dtype=np.int32) // _W13
_CJ = np.arange(_N, dtype=np.int32) % _W13


def kernel(input):
    x2d = input[:, :, _RI, _CJ].astype(jnp.bfloat16).reshape(-1, _N)
    x0 = input[0:1, 0, _RI, _CJ]
    p = x2d.shape[0]
    at = pl.pallas_call(
        _prep_body,
        out_shape=jax.ShapeDtypeStruct((_N, _N), jnp.float32),
    )(x0, _B0T, _GB1, _GB2, _CEV, _SUVT, _S1T, _S2T, _S3T, _S4T)
    at = at.astype(jnp.bfloat16)
    out = pl.pallas_call(
        _apply_body,
        grid=(p // _BM,),
        in_specs=[pl.BlockSpec((_BM, _N), lambda i: (i, 0)),
                  pl.BlockSpec((_N, _N), lambda i: (0, 0))],
        out_specs=pl.BlockSpec((_BM, _N), lambda i: (i, 0)),
        out_shape=jax.ShapeDtypeStruct((p, _N), jnp.bfloat16),
    )(x2d, at)
    return out.astype(jnp.float32).reshape(input.shape)

# --- scband reference (transcript-rebuilt; emitter-appended) ---
"""Pipeline reference for scband-hexconv-autoencoder-48636209660362 (READ-ONLY COPY).

The authoritative reference and input builder live on the scoring server;
editing this copy changes nothing except your own understanding.
"""

import jax, jax.numpy as jnp
import numpy as np

# ---- constant hex-lattice index tables (from module __init__) ----
H13, W13 = 13, 13
H7, W7 = 7, 7

base3 = np.array([[1,0],[3,0],[5,0],[7,0],[9,0],[11,0],[0,2],[2,2],[4,2],[6,2],[8,2],[10,2],[12,2],[1,4],[3,4],[5,4],[7,4],[9,4],[11,4],[2,6],[4,6],[6,6],[8,6],[10,6],[3,8],[5,8],[7,8],[9,8],[4,10],[6,10],[8,10],[5,12],[7,12]], dtype=np.int64)
basex = base3[:,0]; basey = base3[:,1]
bxm = np.maximum(basex-1, 0); bxp = np.minimum(basex+1, H13-1)
bym = np.maximum(basey-1, 0); byp = np.minimum(basey+1, W13-1)
mapto3_y = base3[:,1]//2
mapto3_x = base3[:,0]//2 + (mapto3_y + 1) % 2

# second_depooling tables
dp2_ev = np.array([[4,0],[6,0],[10,0],[2,0],[8,0],[5,2],[7,2],[3,2],[9,2],[1,2],[11,2],[2,4],[8,4],[10,4],[6,4],[4,4],[7,6],[9,6],[5,6],[3,6],[4,8],[6,8],[8,8],[5,10],[7,10],[6,12]], dtype=np.int64)
dp2_ev_half = dp2_ev // 2
dp2_ev_x1 = np.minimum(dp2_ev_half[:,0], H7-1)
dp2_ev_x2 = np.maximum(dp2_ev_half[:,0]-1, 0)
dp2_ev_y = dp2_ev_half[:,1]
dp2_uv = np.array([[5,1],[6,1],[7,1],[3,1],[0,1],[4,1],[9,1],[2,1],[10,1],[1,1],[11,1],[8,1],[6,3],[3,3],[7,3],[4,3],[8,3],[2,3],[9,3],[1,3],[10,3],[0,3],[11,3],[5,3],[6,5],[4,5],[10,5],[1,5],[9,5],[5,5],[2,5],[8,5],[7,5],[3,5],[4,7],[6,7],[9,7],[5,7],[8,7],[3,7],[7,7],[2,7],[6,9],[5,9],[7,9],[8,9],[3,9],[4,9],[4,11],[7,11],[5,11],[6,11]], dtype=np.int64)
dp2_uv_avg = np.array([[[ii, max(jj-1,0)],[ii, min(jj+1, W13-1)],[min(ii+1, H13-1), max(jj-1,0)],[min(ii+1, H13-1), min(jj+1, W13-1)]] for ii, jj in dp2_uv], dtype=np.int64)


def first_pooling(x):
    tmp = (x[:, :, basex, basey]
           + x[:, :, bxm, basey]
           + x[:, :, bxp, basey]
           + x[:, :, basex, byp]
           + x[:, :, basex, bym]
           + x[:, :, bxm, byp]
           + x[:, :, bxm, bym]) * (1.0 / 7)
    out = jnp.zeros((x.shape[0], x.shape[1], H7, W7), dtype=x.dtype)
    out = out.at[:, :, mapto3_x, mapto3_y].set(tmp)
    return out


def second_depooling(z):
    B, C = z.shape[0], z.shape[1]
    d = jnp.zeros((B, C, H13, W13), dtype=z.dtype)
    d = d.at[:, :, base3[:,0], base3[:,1]].set(z[:, :, mapto3_x, mapto3_y])
    # even-column vertices: average of the two coarse cells straddling them
    t = jnp.stack((z[:, :, dp2_ev_x1, dp2_ev_y], z[:, :, dp2_ev_x2, dp2_ev_y]))
    t2 = t.sum(axis=0)
    cnt = jnp.sum(t[:, 0, 0] != 0, axis=0)
    d = d.at[:, :, dp2_ev[:,0], dp2_ev[:,1]].set(t2 / jnp.maximum(cnt, 1))
    # uneven-column vertices: average of up to 4 already-filled fine neighbors
    t = jnp.stack([d[:, :, dp2_uv_avg[:, k, 0], dp2_uv_avg[:, k, 1]] for k in range(4)])
    t2 = t.sum(axis=0)
    cnt = jnp.sum(t[:, 0, 0] != 0, axis=0)
    d = d.at[:, :, dp2_uv[:,0], dp2_uv[:,1]].set(t2 / jnp.maximum(cnt, 1))
    return d


def setup_inputs(seed: int = 0) -> dict:
    key = jax.random.key(seed)
    x = jax.random.normal(key, (256, 768, 13, 13), dtype=jnp.float32)
    return {"input": x}


def reference(input):
    # Hexconv autoencoder spatial path: pool 13x13 -> 7x7, depool 7x7 -> 13x13
    z = first_pooling(input)
    out = second_depooling(z)
    return out

if __name__ == "__main__":
    import jax
    _d = setup_inputs()
    print(jax.jit(kernel)(*tuple(_d.values())))

</pallas_src>

<mosaic_0001>
module attributes {stable_mosaic.version = 14 : i64} {
  func.func @_prep_body(%arg0: memref<1x169xf32, #tpu.memory_space<vmem>>, %arg1: memref<169x169xf32, #tpu.memory_space<vmem>>, %arg2: memref<169x169xf32, #tpu.memory_space<vmem>>, %arg3: memref<169x169xf32, #tpu.memory_space<vmem>>, %arg4: memref<169x169xf32, #tpu.memory_space<vmem>>, %arg5: memref<169x169xf32, #tpu.memory_space<vmem>>, %arg6: memref<169x169xf32, #tpu.memory_space<vmem>>, %arg7: memref<169x169xf32, #tpu.memory_space<vmem>>, %arg8: memref<169x169xf32, #tpu.memory_space<vmem>>, %arg9: memref<169x169xf32, #tpu.memory_space<vmem>>, %arg10: memref<169x169xf32, #tpu.memory_space<vmem>>) attributes {dimension_semantics = [], scalar_prefetch = 0 : i64, scratch_operands = 0 : i64, tpu.core_type = #tpu.core_type<tc>} {
    %get3A = arith.constant 0 : index
    %get3A_0 = arith.constant 0 : index
    %get3A_1 = vector.load %arg0[%get3A, %get3A_0] : memref<1x169xf32, #tpu.memory_space<vmem>>, vector<1x169xf32>
    %get3A_2 = arith.constant 0 : index
    %get3A_3 = arith.constant 0 : index
    %get3A_4 = vector.load %arg1[%get3A_2, %get3A_3] : memref<169x169xf32, #tpu.memory_space<vmem>>, vector<169x169xf32>
    %dot_general3A = arith.constant dense<0.000000e+00> : vector<1x169xf32>
    %dot_general3A_5 = tpu.matmul %get3A_1, %get3A_4, %dot_general3A {dimension_numbers = #tpu.dot_dimension_numbers<[1], [0], [0], [1], [0, 0, 1, 1], [], []>, precision = #tpu.contract_precision<fp32>, transpose_lhs_hint = false} : vector<1x169xf32>, vector<169x169xf32>, vector<1x169xf32> -> vector<1x169xf32>
    %get3A_6 = arith.constant 0 : index
    %get3A_7 = arith.constant 0 : index
    %get3A_8 = vector.load %arg2[%get3A_6, %get3A_7] : memref<169x169xf32, #tpu.memory_space<vmem>>, vector<169x169xf32>
    %dot_general3A_9 = arith.constant dense<0.000000e+00> : vector<1x169xf32>
    %dot_general3A_10 = tpu.matmul %get3A_1, %get3A_8, %dot_general3A_9 {dimension_numbers = #tpu.dot_dimension_numbers<[1], [0], [0], [1], [0, 0, 1, 1], [], []>, precision = #tpu.contract_precision<fp32>, transpose_lhs_hint = false} : vector<1x169xf32>, vector<169x169xf32>, vector<1x169xf32> -> vector<1x169xf32>
    %get3A_11 = arith.constant 0 : index
    %get3A_12 = arith.constant 0 : index
    %get3A_13 = vector.load %arg3[%get3A_11, %get3A_12] : memref<169x169xf32, #tpu.memory_space<vmem>>, vector<169x169xf32>
    %dot_general3A_14 = arith.constant dense<0.000000e+00> : vector<1x169xf32>
    %dot_general3A_15 = tpu.matmul %get3A_1, %get3A_13, %dot_general3A_14 {dimension_numbers = #tpu.dot_dimension_numbers<[1], [0], [0], [1], [0, 0, 1, 1], [], []>, precision = #tpu.contract_precision<fp32>, transpose_lhs_hint = false} : vector<1x169xf32>, vector<169x169xf32>, vector<1x169xf32> -> vector<1x169xf32>
    %ne3A = arith.constant 0.000000e+00 : f32
    %ne3A_16 = vector.broadcast %ne3A : f32 to vector<1x169xf32>
    %ne3A_17 = arith.cmpf one, %dot_general3A_10, %ne3A_16 : vector<1x169xf32>
    %convert_element_type3A = arith.extui %ne3A_17 : vector<1x169xi1> to vector<1x169xi32>
    %convert_element_type3A_18 = arith.sitofp %convert_element_type3A : vector<1x169xi32> to vector<1x169xf32>
    %ne3A_19 = arith.constant 0.000000e+00 : f32
    %ne3A_20 = vector.broadcast %ne3A_19 : f32 to vector<1x169xf32>
    %ne3A_21 = arith.cmpf one, %dot_general3A_15, %ne3A_20 : vector<1x169xf32>
    %convert_element_type3A_22 = arith.extui %ne3A_21 : vector<1x169xi1> to vector<1x169xi32>
    %convert_element_type3A_23 = arith.sitofp %convert_element_type3A_22 : vector<1x169xi32> to vector<1x169xf32>
    %add3A = arith.addf %convert_element_type3A_18, %convert_element_type3A_23 : vector<1x169xf32>
    %max3A = arith.constant 1.000000e+00 : f32
    %max3A_24 = vector.broadcast %max3A : f32 to vector<1x169xf32>
    %max3A_25 = arith.maximumf %add3A, %max3A_24 : vector<1x169xf32>
    %div3A = arith.constant 1.000000e+00 : f32
    %div3A_26 = vector.broadcast %div3A : f32 to vector<1x169xf32>
    %div3A_27 = arith.divf %div3A_26, %max3A_25 : vector<1x169xf32>
    %add3A_28 = arith.addf %dot_general3A_10, %dot_general3A_15 : vector<1x169xf32>
    %mul3A = arith.mulf %add3A_28, %div3A_27 : vector<1x169xf32>
    %add3A_29 = arith.addf %dot_general3A_5, %mul3A : vector<1x169xf32>
    %get3A_30 = arith.constant 0 : index
    %get3A_31 = arith.constant 0 : index
    %get3A_32 = vector.load %arg6[%get3A_30, %get3A_31] : memref<169x169xf32, #tpu.memory_space<vmem>>, vector<169x169xf32>
    %dot_general3A_33 = arith.constant dense<0.000000e+00> : vector<1x169xf32>
    %dot_general3A_34 = tpu.matmul %add3A_29, %get3A_32, %dot_general3A_33 {dimension_numbers = #tpu.dot_dimension_numbers<[1], [0], [0], [1], [0, 0, 1, 1], [], []>, precision = #tpu.contract_precision<fp32>, transpose_lhs_hint = false} : vector<1x169xf32>, vector<169x169xf32>, vector<1x169xf32> -> vector<1x169xf32>
    %get3A_35 = arith.constant 0 : index
    %get3A_36 = arith.constant 0 : index
    %get3A_37 = vector.load %arg7[%get3A_35, %get3A_36] : memref<169x169xf32, #tpu.memory_space<vmem>>, vector<169x169xf32>
    %dot_general3A_38 = arith.constant dense<0.000000e+00> : vector<1x169xf32>
    %dot_general3A_39 = tpu.matmul %add3A_29, %get3A_37, %dot_general3A_38 {dimension_numbers = #tpu.dot_dimension_numbers<[1], [0], [0], [1], [0, 0, 1, 1], [], []>, precision = #tpu.contract_precision<fp32>, transpose_lhs_hint = false} : vector<1x169xf32>, vector<169x169xf32>, vector<1x169xf32> -> vector<1x169xf32>
    %get3A_40 = arith.constant 0 : index
    %get3A_41 = arith.constant 0 : index
    %get3A_42 = vector.load %arg8[%get3A_40, %get3A_41] : memref<169x169xf32, #tpu.memory_space<vmem>>, vector<169x169xf32>
    %dot_general3A_43 = arith.constant dense<0.000000e+00> : vector<1x169xf32>
    %dot_general3A_44 = tpu.matmul %add3A_29, %get3A_42, %dot_general3A_43 {dimension_numbers = #tpu.dot_dimension_numbers<[1], [0], [0], [1], [0, 0, 1, 1], [], []>, precision = #tpu.contract_precision<fp32>, transpose_lhs_hint = false} : vector<1x169xf32>, vector<169x169xf32>, vector<1x169xf32> -> vector<1x169xf32>
    %get3A_45 = arith.constant 0 : index
    %get3A_46 = arith.constant 0 : index
    %get3A_47 = vector.load %arg9[%get3A_45, %get3A_46] : memref<169x169xf32, #tpu.memory_space<vmem>>, vector<169x169xf32>
    %dot_general3A_48 = arith.constant dense<0.000000e+00> : vector<1x169xf32>
    %dot_general3A_49 = tpu.matmul %add3A_29, %get3A_47, %dot_general3A_48 {dimension_numbers = #tpu.dot_dimension_numbers<[1], [0], [0], [1], [0, 0, 1, 1], [], []>, precision = #tpu.contract_precision<fp32>, transpose_lhs_hint = false} : vector<1x169xf32>, vector<169x169xf32>, vector<1x169xf32> -> vector<1x169xf32>
    %ne3A_50 = arith.constant 0.000000e+00 : f32
    %ne3A_51 = vector.broadcast %ne3A_50 : f32 to vector<1x169xf32>
    %ne3A_52 = arith.cmpf one, %dot_general3A_34, %ne3A_51 : vector<1x169xf32>
    %convert_element_type3A_53 = arith.extui %ne3A_52 : vector<1x169xi1> to vector<1x169xi32>
    %convert_element_type3A_54 = arith.sitofp %convert_element_type3A_53 : vector<1x169xi32> to vector<1x169xf32>
    %ne3A_55 = arith.constant 0.000000e+00 : f32
    %ne3A_56 = vector.broadcast %ne3A_55 : f32 to vector<1x169xf32>
    %ne3A_57 = arith.cmpf one, %dot_general3A_39, %ne3A_56 : vector<1x169xf32>
    %convert_element_type3A_58 = arith.extui %ne3A_57 : vector<1x169xi1> to vector<1x169xi32>
    %convert_element_type3A_59 = arith.sitofp %convert_element_type3A_58 : vector<1x169xi32> to vector<1x169xf32>
    %add3A_60 = arith.addf %convert_element_type3A_54, %convert_element_type3A_59 : vector<1x169xf32>
    %ne3A_61 = arith.constant 0.000000e+00 : f32
    %ne3A_62 = vector.broadcast %ne3A_61 : f32 to vector<1x169xf32>
    %ne3A_63 = arith.cmpf one, %dot_general3A_44, %ne3A_62 : vector<1x169xf32>
    %convert_element_type3A_64 = arith.extui %ne3A_63 : vector<1x169xi1> to vector<1x169xi32>
    %convert_element_type3A_65 = arith.sitofp %convert_element_type3A_64 : vector<1x169xi32> to vector<1x169xf32>
    %add3A_66 = arith.addf %add3A_60, %convert_element_type3A_65 : vector<1x169xf32>
    %ne3A_67 = arith.constant 0.000000e+00 : f32
    %ne3A_68 = vector.broadcast %ne3A_67 : f32 to vector<1x169xf32>
    %ne3A_69 = arith.cmpf one, %dot_general3A_49, %ne3A_68 : vector<1x169xf32>
    %convert_element_type3A_70 = arith.extui %ne3A_69 : vector<1x169xi1> to vector<1x169xi32>
    %convert_element_type3A_71 = arith.sitofp %convert_element_type3A_70 : vector<1x169xi32> to vector<1x169xf32>
    %add3A_72 = arith.addf %add3A_66, %convert_element_type3A_71 : vector<1x169xf32>
    %max3A_73 = arith.constant 1.000000e+00 : f32
    %max3A_74 = vector.broadcast %max3A_73 : f32 to vector<1x169xf32>
    %max3A_75 = arith.maximumf %add3A_72, %max3A_74 : vector<1x169xf32>
    %div3A_76 = arith.constant 1.000000e+00 : f32
    %div3A_77 = vector.broadcast %div3A_76 : f32 to vector<1x169xf32>
    %div3A_78 = arith.divf %div3A_77, %max3A_75 : vector<1x169xf32>
    %get3A_79 = arith.constant 0 : index
    %get3A_80 = arith.constant 0 : index
    %get3A_81 = vector.load %arg4[%get3A_79, %get3A_80] : memref<169x169xf32, #tpu.memory_space<vmem>>, vector<169x169xf32>
    %mul3A_82 = vector.broadcast %div3A_27 : vector<1x169xf32> to vector<169x169xf32>
    %mul3A_83 = arith.mulf %get3A_81, %mul3A_82 : vector<169x169xf32>
    %add3A_84 = arith.addf %get3A_4, %mul3A_83 : vector<169x169xf32>
    %get3A_85 = arith.constant 0 : index
    %get3A_86 = arith.constant 0 : index
    %get3A_87 = vector.load %arg5[%get3A_85, %get3A_86] : memref<169x169xf32, #tpu.memory_space<vmem>>, vector<169x169xf32>
    %dot_general3A_88 = arith.constant dense<0.000000e+00> : vector<169x169xf32>
    %dot_general3A_89 = tpu.matmul %add3A_84, %get3A_87, %dot_general3A_88 {dimension_numbers = #tpu.dot_dimension_numbers<[1], [0], [0], [1], [0, 0, 1, 1], [], []>, precision = #tpu.contract_precision<fp32>, transpose_lhs_hint = false} : vector<169x169xf32>, vector<169x169xf32>, vector<169x169xf32> -> vector<169x169xf32>
    %mul3A_90 = vector.broadcast %div3A_78 : vector<1x169xf32> to vector<169x169xf32>
    %mul3A_91 = arith.mulf %dot_general3A_89, %mul3A_90 : vector<169x169xf32>
    %add3A_92 = arith.addf %add3A_84, %mul3A_91 : vector<169x169xf32>
    %swap3A = arith.constant 0 : index
    %swap3A_93 = arith.constant 0 : index
    %swap3A_94 = vector.load %arg10[%swap3A, %swap3A_93] : memref<169x169xf32, #tpu.memory_space<vmem>>, vector<169x169xf32>
    tpu.vector_store %arg10[%swap3A, %swap3A_93], %add3A_92 {strides = array<i32>} : memref<169x169xf32, #tpu.memory_space<vmem>>, vector<169x169xf32>,
    return
  }
}

module attributes {stable_mosaic.version = 14 : i64} {
  func.func @_apply_body(%arg0: i32, %arg1: memref<16384x169xbf16, #tpu.memory_space<vmem>>, %arg2: memref<169x169xbf16, #tpu.memory_space<vmem>>, %arg3: memref<16384x169xbf16, #tpu.memory_space<vmem>>) attributes {dimension_semantics = [#tpu.dimension_semantics<arbitrary>], iteration_bounds = array<i64: 12>, scalar_prefetch = 0 : i64, scratch_operands = 0 : i64, tpu.core_type = #tpu.core_type<tc>, window_params = [{transform_indices = @transform_0, window_bounds = array<i64: 16384, 169>}, {pipeline_mode = #tpu.pipeline_mode<synchronous>, transform_indices = @transform_1, window_bounds = array<i64: 169, 169>}, {transform_indices = @transform_2, window_bounds = array<i64: 16384, 169>}]} {
    %get3A = arith.constant 0 : index
    %get3A_0 = arith.constant 0 : index
    %get3A_1 = vector.load %arg1[%get3A, %get3A_0] : memref<16384x169xbf16, #tpu.memory_space<vmem>>, vector<16384x169xbf16>
    %get3A_2 = arith.constant 0 : index
    %get3A_3 = arith.constant 0 : index
    %get3A_4 = vector.load %arg2[%get3A_2, %get3A_3] : memref<169x169xbf16, #tpu.memory_space<vmem>>, vector<169x169xbf16>
    %dot_general3A = arith.constant dense<0.000000e+00> : vector<16384x169xf32>
    %dot_general3A_5 = tpu.matmul %get3A_1, %get3A_4, %dot_general3A {dimension_numbers = #tpu.dot_dimension_numbers<[1], [0], [0], [1], [0, 0, 1, 1], [], []>, transpose_lhs_hint = false} : vector<16384x169xbf16>, vector<169x169xbf16>, vector<16384x169xf32> -> vector<16384x169xf32>
    %convert_element_type3A = arith.truncf %dot_general3A_5 : vector<16384x169xf32> to vector<16384x169xbf16>
    %swap3A = arith.constant 0 : index
    %swap3A_6 = arith.constant 0 : index
    %swap3A_7 = vector.load %arg3[%swap3A, %swap3A_6] : memref<16384x169xbf16, #tpu.memory_space<vmem>>, vector<16384x169xbf16>
    tpu.vector_store %arg3[%swap3A, %swap3A_6], %convert_element_type3A {strides = array<i32>} : memref<16384x169xbf16, #tpu.memory_space<vmem>>, vector<16384x169xbf16>,
    return
  }
  func.func @transform_0(%arg0: i32) -> (i32, i32) {
    %c0_i32 = arith.constant 0 : i32
    %c0_i32_0 = arith.constant 0 : i32
    return %arg0, %c0_i32 : i32, i32
  }
  func.func @transform_1(%arg0: i32) -> (i32, i32) {
    %c0_i32 = arith.constant 0 : i32
    %c0_i32_0 = arith.constant 0 : i32
    %c0_i32_1 = arith.constant 0 : i32
    return %c0_i32, %c0_i32_0 : i32, i32
  }
  func.func @transform_2(%arg0: i32) -> (i32, i32) {
    %c0_i32 = arith.constant 0 : i32
    %c0_i32_0 = arith.constant 0 : i32
    return %arg0, %c0_i32 : i32, i32
  }
}

</mosaic_0001>

<sc_bundles>
// kernel: sparse-core-data-format-call.cloned.1.call-start
scs
called_computation_lowered:
.L_overlay_start_0:
0x0: {  	s2 =	sld [smem:$0x3FD9]  }
0x1: {  	s3 =	sld [smem:$0x3FFE];
	_ =	sdelay $0x1  }
0x2: {  	s1 =	srdreg.scid  }
0x3: {  	s0 =	sand.u32 $0x1, s1  }
0x4: {  	s18 =	sshll.u32 s0, $0xA;
	s2 =	sadd.s32 s3, s2  }
0x5: {  	s2 =	sadd.s32 s2, s18  }
0x6: {  	[smem:$0x3FC7] =	sst s2  }
0x7: {  	_ = 	snop  }
0x8: {  	s2 =	sld [smem:$0x3FD0];
	(tm) =	ssettm $0x1  }
0x9: {  	s19 =	sld [smem:$0x3FFB];
	_ =	sdelay $0x3  }
0xa: {  	_ =	strace s19  }
0xb: {  	s3 =	sld [smem:$0x3FFC];
	_ =	sdelay $0x3  }
0xc: {  	_ =	strace s3  }
0xd: {  	s3 =	sld [smem:$0x3FFD];
	_ =	sdelay $0x3  }
0xe: {  	_ =	strace s3  }
0xf: {  	_ =	strace $0x8FFFFFFF  }
0x10: {  	s20 =	sld [smem:$0x3FDB];
	_ =	sdelay $0x1  }
0x11: {  	s4 =	simm.s32 $_scs_section_size  }
0x12: {  	s5 =	simm.s32 $_size__tile_overlayer_lowered;
	s6 =	simm.s32 $_tile_overlayer_lowered  }
0x13: {  	s23 =	simm.s32 $0x1BFF;
	s22 =	sshll.u32 s6, $0x1;
	s3 =	sadd.s32 s4, s20  }
0x14: {  	s7 =	simm.s32 $0x0;
	s21 =	sshll.u32 s5, $0x1;
	s5 =	sadd.s32 s22, s3  }
0x15: {  	[timem:s7], [sflag:s23] =	dma.local [hbm:s5], s21  }
0x16: {  	_ =	swait.ge [sflag:s23], s21  }
0x17: {  	s4 =	ssub.s32 $0x0, s21;
	[sflag:s23] =	ssyncset.done $0x0  }
0x18: {  	[sflag:s23] =	ssyncadd.s32 s4;
	_ =	sdelay $0x1  }
0x19: {  	s24 =	simm.s32 $0x1B8B  }
0x1a: {  	_ =	swait.ge [sflag:s24], $0x1  }
0x1b: {  	[sflag:s24] =	ssyncset.done $0x0  }
0x1c: {  	s26 =	simm.s32 $0x1B8E;
	s25 =	sld [smem:$0x3FFE];
	[sflag:s24] =	ssyncadd.s32 $0xFFFFFFFF  }
0x1d: {  	s27 =	simm.s32 $execute0_lowered;
	[smem:$0x3FD2] =	sst s26  }
0x1e: {  	s5 =	sshll.u32 s27, $0x1;
	_ =	strace $0x80000046;
	[dreg:$0x1] =	wrdreg $0xFFFFFFFF  }
0x1f: {  	s28 =	simm.s32 $_size_execute0_lowered;
	s3 =	sadd.s32 s3, s5;
	[dreg:$0x0] =	wrdreg $0x0  }
0x20: {  	s5 =	sshll.u32 s28, $0x1;
	[dreg:$0x2] =	wrdreg s3  }
0x21: {  	[dreg:$0x3] =	wrdreg s5  }
0x22: {  	[dreg:$0x4] =	wrdreg $0xC0  }
0x23: {  	_ =	task [dreg:s7], $0x5FFFF  }
0x24: {  	[dreg:$0x1] =	wrdreg $0xFFFFFFFF  }
0x25: {  	[dreg:$0x0] =	wrdreg $0x60  }
0x26: {  	[dreg:$0x2] =	wrdreg s2  }
0x27: {  	[dreg:$0x3] =	wrdreg s25  }
0x28: {  	[dreg:$0x4] =	wrdreg $0x9  }
0x29: {  	_ =	task.clear_ibuf [dreg:s7], $0x5FFFF;
	_ =	strace $0x90000046  }
0x2a: {  	s29 =	simm.s32 $0x9;
	_ =	strace $0x80000048  }
0x2b: {  	_ =	swait.ge [sflag:s29], $0x1  }
0x2c: {  	[sflag:s29] =	ssyncadd.s32 $0xFFFFFFFF  }
0x2d: {  	_ =	strace $0x90000048  }
0x2e: {  	_ =	sfence  }
0x2f: {  	s30 =	sld [smem:$0x0];
	_ =	sdelay $0x2  }
0x30: {  	s31 =	sshll.u32 s1, $0xD;
	s1 =	sshrl.u32 s1, $0x2  }
0x31: {  	s3 =	sand.u32 $0x4000, s31;
	s1 =	sadd.s32 s1, s30  }
0x32: {  	s0 =	sor.u32 s3, s0;
	s1 =	sshll.u32 s1, $0x11  }
0x33: {  	s0 =	sor.u32 s1, s0  }
0x34: {  	s0 =	sadd.s32 $0x8F2B, s0  }
0x35: {  	[sflag:s0] =	ssyncadd.remote.s32 $0x1  }
0x36: {  	_ =	sfence.sel $0xFFFF  }
0x37: {  	[dreg:$0x0] =	wrdreg $0xFFFFFFFF;
	(pc) =	sbr.abs _section_cstart, $3  }
0x38: {  	[dreg:$0x1] =	wrdreg $0xFFFFFFFF  }
0x39: {  	_ =	task.clear_ibuf [dreg:s7], $0x2FFFF;
	_ =	strace $0x9FFFFFFF  }
0x3a: {  	(tm) =	ssettm $0x7FFFFFFF  }
0x3b: {  	_ =	shalt  }
tec
execute0_lowered:
.L_overlay_start_1:
0x0: {  	(tag) =	ssettag $0x1  }
0x1: {  	s1 =	srdreg.scid;
	s2 =	rddreg [dreg:$0x0]  }
0x2: {  	s0 =	stileid.u32;
	s8 =	rddreg [dreg:$0x1]  }
0x3: {  	s6 =	simm.s32 $0x1;
	s10 =	simm.s32 $0x2;
	s1 =	sshll.u32 s1, $0x4  }
0x4: {  	s18 =	simm.s32 $0x0;
	s11 =	simm.s32 $0x400;
	s1 =	sor.u32 s0, s1  }
0x5: {  	s17 =	simm.s32 $0x0;
	s16 =	simm.s32 $0x0;
	s3 =	sand.u32 $0x1E, s1  }
0x6: {  	s12 =	simm.s32 $0x0;
	s15 =	simm.s32 $0x0;
	s5 =	ssub.s32 $0x100, s3  }
0x7: {  	s9 =	sshll.u32 s0, $0x7;
	s1 =	rddreg [dreg:$0x2];
	s4 =	sand.u32 $0x1E, s5  }
0x8: {  	_ =	strace $0x80000047;
	s13 =	smov.u32 s3;
	p0 =	sne.s32 s4, $0x0  }
.Ltmp0:
0x9: {  	s7 =	sshrl.u32 s5, $0x5;
	s6 =	simm.s32 @!p0 $0x0;
	(pc) =	sbr.rel .LBB1_1-.Ltmp0, $4  }
0xa: {  	s5 =	simm.s32 $0x1;
	s4 =	sadd.s32 $0x1800, s8;
	s6 =	sadd.s32 s6, s7  }
0xb: {  	[sflag:s5] =	ssyncpa.u1 $0x0;
	s8 =	sadd.s32 $0x4800, s8;
	s6 =	smul.u32 $0x6, s6  }
0xc: {  	[sflag:s10] =	ssyncpa.u1 $0x0;
	p0 =	por $0x0, $0x0;
	s7 =	sand.u32 $0x80, s9  }
0xd: {  	s10 =	simm.s32 $0x18000;
	s14 =	smov.u32 s7;
	s9 =	sor.u32 $0x1, s6  }
.LBB1_6:
0xe: {  	v11 =	vld [tilespmem:s23+$0xFFFFFFE0];
	v12 =	vcombine.low v6, v8  }
0xf: {  	v3 =	vperm.xlane.i2c.b16 v3;
	[tilespmem:s24+$0x3870 ss:$0x81] =	vst.msk $0xffff, v9;
	v47 =	vld [tilespmem:s23+$0xFFFFFFF0];
	v5 =	vperm.xlane.i2c.b16 v5  }
0x10: {  	v48 =	vcombine.high v6, v8;
	[tilespmem:s22+$0x2040 ss:$0x81] =	vst.msk $0xffff, v10;
	s30 =	sshll.u32 s18, $0x8;
	s26 =	sshll.u32 s16, $0x3;
	v49 =	vld [tilespmem:s23+$0x0];
	v4 =	vperm.xlane.i2c.b16 v4  }
0x11: {  	s31 =	sshll.u32 s18, $0x7;
	v51 =	vld [tilespmem:s23+$0x10];
	v2 =	vperm.xlane.i2c.b16 v2;
	s22 =	sand.u32 $0xFFFFF800, s30;
	s26 =	sand.u32 $0xFFFFFC00, s26;
	[tilespmem:s24+$0x810 ss:$0x81] =	vst.msk $0xffff, v12;
	v50 =	vcombine.low v7, v3  }
0x12: {  	v53 =	vld [tilespmem:s23+$0xFFFFFFC0];
	v1 =	vperm.xlane.i2c.b16 v1;
	s18 =	sand.u32 $0x300, s31;
	s22 =	sadd.s32 s26, s22;
	v52 =	vcombine.low v5, v0;
	[tilespmem:s24+$0x2850 ss:$0x81] =	vst.msk $0xffff, v48  }
0x13: {  	v3 =	vcombine.high v7, v3;
	s26 =	sshra.s32 s25, $0x2;
	v54 =	vcombine.low v2, v4;
	s18 =	sor.u32 s18, s22;
	[tilespmem:s24+$0x1020 ss:$0x81] =	vst.msk $0xffff, v50  }
0x14: {  	v2 =	vcombine.high v2, v4;
	v57 =	vcombine.high v5, v0;
	s20 =	sadd.s32 s26, s20;
	s18 =	sshrl.u32 s18, $0x8;
	[tilespmem:s24+$0x0 ss:$0x81] =	vst.msk $0xffff, v52  }
0x15: {  	[tilespmem:s20+$0x1830 ss:$0x81] =	vst.msk $0xffff, v54;
	v11 =	vperm.xlane.i2c.b16 v11;
	v55 =	vperm.xlane.i2c.b16 v47;
	s27 =	smulhi.u32 $0xAAAAAB, s18  }
0x16: {  	[tilespmem:s24+$0x3060 ss:$0x81] =	vst.msk $0xffff, v3;
	v56 =	vperm.xlane.i2c.b16 v49;
	v59 =	vperm.xlane.i2c.b16 v51  }
0x17: {  	[tilespmem:s20+$0x3870 ss:$0x81] =	vst.msk $0xffff, v2;
	v61 =	vperm.xlane.i2c.b16 v53;
	v58 =	vcombine.low v11, v55;
	s22 =	sshrl.u32 s27, $0x1  }
0x18: {  	[tilespmem:s24+$0x2040 ss:$0x81] =	vst.msk $0xffff, v57;
	v62 =	vcombine.low v56, v59;
	s22 =	smul.u32 $0x300, s22  }
0x19: {  	v63 =	vcombine.low v61, v1;
	[tilespmem:s20+$0x810 ss:$0x81] =	vst.msk $0xffff, v58  }
0x1a: {  	s17 =	smul.u32 $0x3000, s17;
	v60 =	vcombine.high v11, v55;
	[tilespmem:s20+$0x1020 ss:$0x81] =	vst.msk $0xffff, v62;
	s18 =	ssub.s32 s18, s22  }
0x1b: {  	s30 =	sand.u32 $0x7, s16;
	v4 =	vcombine.high v56, v59;
	[tilespmem:s20+$0x0 ss:$0x81] =	vst.msk $0xffff, v63;
	s18 =	sshll.u32 s18, $0x4  }
0x1c: {  	s28 =	sshrl.u32 s16, $0x3;
	s16 =	sshll.u32 s30, $0x12;
	v0 =	vcombine.high v61, v1;
	[tilespmem:s20+$0x2850 ss:$0x81] =	vst.msk $0xffff, v60;
	s29 =	sadd.s32 s17, s18  }
0x1d: {  	[tilespmem:s20+$0x3060 ss:$0x81] =	vst.msk $0xffff, v4;
	s22 =	sand.u32 $0xF, s28;
	s17 =	sadd.s32 s17, s8;
	s23 =	sadd.s32 s4, s29  }
0x1e: {  	s16 =	sor.u32 $0x200, s16;
	[tilespmem:s20+$0x2040 ss:$0x81] =	vst.msk $0xffff, v0;
	s17 =	sadd.s32 s22, s17;
	s31 =	sadd.s32 s22, s23  }
0x1f: {  	[hbm4b:s31+s16] =	stream.strided.scatter [tilespmem:s21], [sflag:$0x2], $0x2000, s11, s16, $0x20;
	[tilespmem:$0x10100] =	vst v63  }
0x20: {  	s19 =	sadd.s32 $0xA040, s19;
	s17 =	sadd.s32 s18, s17  }
0x21: {  	[hbm4b:s17+s16] =	stream.strided.scatter [tilespmem:s19], [sflag:$0x2], $0x2000, s11, s16, $0x20;
	[tilespmem:$0x10100] =	vst v63  }
.LBB1_7:
0x22: {  	s19 =	sadd.s32 $0x80, s12  }
0x23: {  	s16 =	sadd.s32 $0x20, s13;
	s20 =	smov.u32 s13;
	p2 =	sgt.s32 s19, $0x2FF  }
0x24: {  	s20 =	smov.u32 @p2 s16  }
0x25: {  	s22 =	smov.u32 s14;
	s16 =	sadd.s32 $0x100, s14;
	p3 =	sgt.s32 s20, $0xFF  }
0x26: {  	s22 =	smov.u32 @p3 s16  }
0x27: {  	s19 =	simm.s32 @p2 $0x0;
	p2 =	sgt.s32 s22, $0xA8  }
0x28: {  	p1 =	slt.u32 s15, $0x2;
	s22 =	smov.u32 @p2 s7;
	p2 =	sne.s32 s15, s9  }
.Ltmp1:
0x29: {  	s21 =	simm.s32 @!p1 $0x2;
	(pc) =	sbr.rel @!p2 .LBB1_8-.Ltmp1, $4  }
0x2a: {  	s18 =	smov.u32 s12;
	s17 =	smov.u32 s13;
	_ =	swait.ge @!p1 [sflag:s21], $0x4000  }
0x2b: {  	p0 =	por !p0, !p0;
	[sflag:s21] =	ssyncset.done @!p1 $0x0;
	s12 =	smov.u32 s19  }
0x2c: {  	s20 =	smov.u32 @p3 s3;
	s16 =	smov.u32 s14;
	[sflag:s21] =	ssyncadd.s32 @!p1 $0xFFFFC000  }
0x2d: {  	s13 =	smov.u32 s20;
	s15 =	sadd.s32 $0x1, s15;
	s14 =	smov.u32 s22  }
.LBB1_1:
0x2e: {  	p1 =	sge.u32 s15, s6  }
.Ltmp2:
0x2f: {  	_ = 	snop;
	(pc) =	sbr.rel @p1 .LBB1_3-.Ltmp2, $1  }
0x30: {  	_ =	sdelay $0x3  }
0x31: {  	s19 =	sshrl.u32 s13, $0x3;
	s20 =	sshll.u32 s12, $0x3;
	s21 =	sshll.u32 s13, $0x7  }
0x32: {  	s22 =	sand.u32 $0x1, s13;
	p1 =	sgt.s32 s14, $0x29;
	s30 =	sshra.s32 s14, $0x1F  }
0x33: {  	s23 =	sshll.u32 s12, $0x1;
	s24 =	sshra.s32 s13, $0x1F;
	p2 =	sgt.s32 s12, $0x280  }
0x34: {  	s26 =	sshra.s32 s12, $0x1F;
	s19 =	smul.u32 $0x1800, s19;
	s20 =	sand.u32 $0xFFFFFC00, s20  }
0x35: {  	s29 =	sand.u32 $0x300, s21;
	s21 =	sand.u32 s30, s14;
	s23 =	sand.u32 $0xFE, s23  }
0x36: {  	s24 =	sand.u32 s24, s13;
	s19 =	sadd.s32 s19, s20;
	s20 =	smov.u32 s14  }
0x37: {  	s22 =	sor.u32 s22, s23;
	s23 =	sand.u32 s26, s12;
	s20 =	simm.s32 @!p1 $0x29  }
0x38: {  	s19 =	sor.u32 s29, s19;
	p1 =	sgt.s32 s13, $0xFE;
	s20 =	ssub.s32 s20, s21  }
0x39: {  	s21 =	smov.u32 s13;
	s22 =	sor.u32 s19, s22;
	s19 =	smulhi.u32 $0xAAAAAAAB, s19  }
0x3a: {  	s21 =	simm.s32 @!p1 $0xFE;
	s31 =	sadd.s32 $0xFFFFFFD7, s20;
	s20 =	ssub.s32 $0xA9, s20  }
0x3b: {  	s28 =	smulhi.u32 $0xAAAAAAAB, s22;
	s21 =	ssub.s32 s21, s24;
	p1 =	sgt.s32 s31, $0x7F  }
0x3c: {  	s24 =	smov.u32 s12;
	s19 =	sshrl.u32 s19, $0x9;
	s31 =	smul.u32 $0x3000, s14  }
0x3d: {  	s25 =	sadd.s32 $0xFFFFFF02, s21;
	s24 =	simm.s32 @!p2 $0x280;
	s21 =	ssub.s32 $0x100, s21  }
0x3e: {  	s20 =	simm.s32 @p1 $0x0;
	s19 =	sand.u32 $0xFF, s19;
	p2 =	sgt.s32 s25, $0x1  }
0x3f: {  	s23 =	ssub.s32 s24, s23;
	s19 =	smul.u32 $0x30, s19;
	s21 =	simm.s32 @p2 $0x0  }
0x40: {  	s29 =	sshrl.u32 s28, $0x9;
	s27 =	sadd.s32 $0xFFFFFD80, s23;
	s20 =	smul.u32 s20, s21  }
0x41: {  	p1 =	sgt.s32 s27, $0x7F;
	s21 =	ssub.s32 $0x300, s23;
	s23 =	smul.u32 $0x300, s29  }
0x42: {  	s30 =	sxor.u32 $0xFFFFFFFF, s15;
	s24 =	sadd.s32 s2, s31;
	s21 =	simm.s32 @p1 $0x0  }
0x43: {  	s19 =	sadd.s32 s19, s24;
	s20 =	smul.u32 s21, s20;
	s22 =	ssub.s32 s22, s23  }
0x44: {  	s21 =	sshll.u32 s30, $0xE;
	s23 =	sshrl.u32 s22, $0x4;
	s22 =	sshll.u32 s22, $0x11  }
0x45: {  	s21 =	sand.u32 $0x4000, s21;
	s20 =	sshrl.u32 s20, $0x1;
	s22 =	sand.u32 $0x1C0000, s22  }
0x46: {  	s19 =	sadd.s32 s23, s19;
	s20 =	sand.u32 $0x3FFFFFFF, s20;
	s22 =	sor.u32 $0x80, s22  }
0x47: {  	[tilespmem:s21], [sflag:$0x1] =	stream.strided.gather [hbm4b:s19+s22], s20, s10, s22, $0x38;
	[tilespmem:$0x10100] =	vst v63  }
.LBB1_3:
0x48: {  	s19 =	sadd.s32 $0xFFFFFFFF, s15  }
0x49: {  	p1 =	sge.u32 s19, s6  }
.Ltmp3:
0x4a: {  	_ = 	snop;
	(pc) =	sbr.rel @p1 .LBB1_7-.Ltmp3, $1  }
0x4b: {  	_ =	sdelay $0x3  }
0x4c: {  	p1 =	sgt.s32 s16, $0x29;
	s19 =	smov.u32 s16;
	s20 =	sshra.s32 s16, $0x1F  }
0x4d: {  	s19 =	simm.s32 @!p1 $0x29;
	s20 =	sand.u32 s20, s16  }
0x4e: {  	s19 =	ssub.s32 s19, s20  }
0x4f: {  	p2 =	sgt.s32 s17, $0xFE;
	s21 =	sshra.s32 s17, $0x1F;
	s20 =	sadd.s32 $0xFFFFFFD7, s19  }
0x50: {  	s22 =	sshra.s32 s18, $0x1F;
	p1 =	sgt.s32 s20, $0x7F;
	s20 =	smov.u32 s17  }
0x51: {  	s21 =	sand.u32 s21, s17;
	s22 =	sand.u32 s22, s18;
	s20 =	simm.s32 @!p2 $0xFE  }
0x52: {  	p2 =	sgt.s32 s18, $0x280;
	s20 =	ssub.s32 s20, s21;
	s21 =	smov.u32 s18  }
0x53: {  	s19 =	ssub.s32 $0xA9, s19;
	s23 =	sadd.s32 $0xFFFFFF02, s20;
	s21 =	simm.s32 @!p2 $0x280  }
0x54: {  	s20 =	ssub.s32 $0x100, s20;
	p2 =	sgt.s32 s23, $0x1;
	s21 =	ssub.s32 s21, s22  }
0x55: {  	s19 =	simm.s32 @p1 $0x0;
	s20 =	simm.s32 @p2 $0x0;
	s22 =	sadd.s32 $0xFFFFFD80, s21  }
0x56: {  	s19 =	smul.u32 s19, s20;
	p1 =	sgt.s32 s22, $0x7F;
	s20 =	ssub.s32 $0x300, s21  }
0x57: {  	s20 =	simm.s32 @p1 $0x0  }
0x58: {  	s19 =	smul.u32 s20, s19;
	_ =	sdelay $0x1  }
0x59: {  	s19 =	sshrl.u32 s19, $0x1  }
0x5a: {  	s20 =	simm.s32 $0x1;
	s19 =	sand.u32 $0x3FFFFFFF, s19  }
0x5b: {  	s20 =	simm.s32 @!p0 $0x0;
	_ =	swait.ge [sflag:s5], s19  }
0x5c: {  	s29 =	sshll.u32 s20, $0xE;
	s19 =	ssub.s32 $0x0, s19;
	[sflag:s5] =	ssyncset.done $0x0  }
0x5d: {  	s21 =	sor.u32 $0x40, s29;
	[sflag:s5] =	ssyncadd.s32 s19  }
0x5e: {  	v0 =	vld [tilespmem:s21+$0x20]  }
0x5f: {  	v1 =	vld [tilespmem:s21+$0x30]  }
0x60: {  	v2 =	vld [tilespmem:s21+$0xFFFFFFD0]  }
0x61: {  	v3 =	vld [tilespmem:s21+$0xFFFFFFE0]  }
0x62: {  	v4 =	vld [tilespmem:s21+$0xFFFFFFF0]  }
0x63: {  	v5 =	vld [tilespmem:s21+$0x0]  }
0x64: {  	s30 =	smul.u32 $0x10200, s20;
	v6 =	vld [tilespmem:s21+$0x10]  }
0x65: {  	v7 =	vld [tilespmem:s21+$0xFFFFFFC0];
	s21 =	sadd.s32 $0x80, s21;
	v1 =	vperm.xlane.i2c.b16 v1;
	v0 =	vperm.xlane.i2c.b16 v0  }
0x66: {  	s19 =	sshrl.u32 s30, $0x2;
	v9 =	vld [tilespmem:s21+$0x30];
	v10 =	vperm.xlane.i2c.b16 v2;
	v3 =	vperm.xlane.i2c.b16 v3  }
0x67: {  	s20 =	sor.u32 $0x8000, s19;
	v2 =	vld [tilespmem:s21+$0x20];
	v4 =	vperm.xlane.i2c.b16 v4;
	v8 =	vcombine.low v0, v1  }
0x68: {  	s22 =	sadd.s32 $0x0, s20;
	v5 =	vperm.xlane.i2c.b16 v5;
	v0 =	vcombine.high v0, v1;
	v1 =	vld [tilespmem:s21+$0xFFFFFFD0]  }
0x69: {  	v12 =	vld [tilespmem:s21+$0xFFFFFFF0];
	v6 =	vperm.xlane.i2c.b16 v6;
	v11 =	vcombine.low v3, v4;
	[tilespmem:s22+$0x1830 ss:$0x81] =	vst.msk $0xffff, v8  }
0x6a: {  	v13 =	vperm.xlane.i2c.b16 v7;
	v8 =	vld [tilespmem:s21+$0xFFFFFFE0];
	[tilespmem:s22+$0x3870 ss:$0x81] =	vst.msk $0xffff, v0;
	v0 =	vcombine.high v3, v4  }
0x6b: {  	v7 =	vld [tilespmem:s21+$0x0];
	v9 =	vperm.xlane.i2c.b16 v9;
	[tilespmem:s22+$0x810 ss:$0x81] =	vst.msk $0xffff, v11;
	v4 =	vcombine.low v5, v6  }
0x6c: {  	s31 =	sand.u32 $0x1, s15;
	v11 =	vcombine.high v5, v6;
	v3 =	vld [tilespmem:s21+$0x10];
	v14 =	vperm.xlane.i2c.b16 v2;
	[tilespmem:s22+$0x2850 ss:$0x81] =	vst.msk $0xffff, v0  }
0x6d: {  	s19 =	smul.u32 $0x10200, s31;
	s23 =	sadd.s32 $0x80, s21;
	v5 =	vld [tilespmem:s21+$0xFFFFFFC0];
	v0 =	vperm.xlane.i2c.b16 v1;
	v1 =	vcombine.low v13, v10;
	[tilespmem:s22+$0x1020 ss:$0x81] =	vst.msk $0xffff, v4  }
0x6e: {  	v2 =	vld [tilespmem:s23+$0x20];
	v15 =	vcombine.low v14, v9;
	v9 =	vcombine.high v14, v9;
	[tilespmem:s22+$0x3060 ss:$0x81] =	vst.msk $0xffff, v11  }
0x6f: {  	s24 =	sadd.s32 $0x1, s20;
	s19 =	sshrl.u32 s19, $0x2;
	v4 =	vld [tilespmem:s23+$0x30];
	v6 =	vperm.xlane.i2c.b16 v8;
	v8 =	vperm.xlane.i2c.b16 v12;
	[tilespmem:s22+$0x0 ss:$0x81] =	vst.msk $0xffff, v1  }
0x70: {  	s25 =	simm.s32 $0x8;
	s26 =	simm.s32 $0xC;
	s21 =	sor.u32 $0x8000, s19;
	v7 =	vperm.xlane.i2c.b16 v7;
	v10 =	vcombine.high v13, v10;
	v1 =	vld [tilespmem:s23+$0xFFFFFFD0];
	[tilespmem:s24+$0x1830 ss:$0x81] =	vst.msk $0xffff, v15  }
.LBB1_5:
0x71: {  	p1 =	sne.s32 s26, $0x1FC;
	v11 =	vld [tilespmem:s23+$0xFFFFFFE0];
	v12 =	vcombine.low v6, v8;
	v3 =	vperm.xlane.i2c.b16 v3;
	[tilespmem:s24+$0x3870 ss:$0x81] =	vst.msk $0xffff, v9  }
0x72: {  	v13 =	vperm.xlane.i2c.b16 v5;
	v5 =	vcombine.high v6, v8;
	v9 =	vld [tilespmem:s23+$0xFFFFFFF0];
	[tilespmem:s22+$0x2040 ss:$0x81] =	vst.msk $0xffff, v10;
	s22 =	smov.u32 s24  }
0x73: {  	v10 =	vld [tilespmem:s23+$0x0];
	[tilespmem:s22+$0x810 ss:$0x81] =	vst.msk $0xffff, v12;
	v6 =	vcombine.low v7, v3;
	v7 =	vcombine.high v7, v3  }
.Ltmp4:
0x74: {  	v14 =	vperm.xlane.i2c.b16 v2;
	v12 =	vperm.xlane.i2c.b16 v4;
	v3 =	vld [tilespmem:s23+$0x10];
	[tilespmem:s22+$0x2850 ss:$0x81] =	vst.msk $0xffff, v5;
	(pc) =	sbr.rel @p1 .LBB1_5-.Ltmp4, $4  }
0x75: {  	v15 =	vperm.xlane.i2c.b16 v1;
	v1 =	vcombine.low v13, v0;
	v5 =	vld [tilespmem:s23+$0xFFFFFFC0];
	s23 =	sadd.s32 $0x80, s23;
	[tilespmem:s22+$0x1020 ss:$0x81] =	vst.msk $0xffff, v6  }
0x76: {  	s24 =	sshra.s32 s25, $0x2;
	s25 =	smov.u32 s26;
	v2 =	vld [tilespmem:s23+$0x20];
	v6 =	vperm.xlane.i2c.b16 v11;
	v11 =	vcombine.low v14, v12;
	[tilespmem:s22+$0x3060 ss:$0x81] =	vst.msk $0xffff, v7  }
0x77: {  	s24 =	sadd.s32 s24, s20;
	v4 =	vld [tilespmem:s23+$0x30];
	v8 =	vperm.xlane.i2c.b16 v9;
	v9 =	vcombine.high v14, v12;
	[tilespmem:s22+$0x0 ss:$0x81] =	vst.msk $0xffff, v1  }
0x78: {  	s26 =	sadd.s32 $0x4, s26;
	v1 =	vld [tilespmem:s23+$0xFFFFFFD0];
	v7 =	vperm.xlane.i2c.b16 v10;
	[tilespmem:s24+$0x1830 ss:$0x81] =	vst.msk $0xffff, v11;
	v10 =	vcombine.high v13, v0;
	v0 =	vmov v15  }
.Ltmp5:
0x79: {  	_ = 	snop;
	(pc) =	sbr.rel .LBB1_6-.Ltmp5, $1  }
0x7a: {  	_ =	sdelay $0x3  }
.LBB1_8:
0x7b: {  	_ =	sfence.sel $0x180000  }
0x7c: {  	s2 =	simm.s32 $0x1;
	[bflag:$0x0] =	sbarrier.arrive $0xFFFF  }
0x7d: {  	s31 =	simm.s32 $0x2;
	[sflag:s2] =	ssyncpa.u1 $0x1  }
0x7e: {  	[sflag:s31] =	ssyncpa.u1 $0x1  }
0x7f: {  	p0 =	sne.s32 s0, $0x0;
	_ =	strace $0x90000047  }
0x80: {  	s0 =	sadd.s32 @!p0 $0x100000, s1;
	[bflag:$0x2] =	sbarrier.arrive $0xFFFF  }
0x81: {  	[sflag:s0] =	ssyncadd.tile.s32 @!p0 $0x1;
	_ =	shalt  }
.Lfunc_end1:
_tile_overlayer_lowered:
.L_overlay_start_2:
0x82: {  	(tag) =	ssettag $0x2  }
0x83: {  	s0 =	rddreg [dreg:$0x0];
	s2 =	stileid.u32  }
0x84: {  	s1 =	rddreg [dreg:$0x1];
	p0 =	sne.s32 s2, $0x0  }
0x85: {  	s3 =	rddreg [dreg:$0x2];
	[bflag:$0x3] =	sbarrier.arrive $0xFFFF;
	s2 =	simm.s32 @!p0 $0x1C01  }
0x86: {  	[timem:s3], [sflag:s2] =	dma.local @!p0 [hbm:s0], s1  }
0x87: {  	s0 =	simm.s32 @!p0 $0x1  }
0x88: {  	_ =	swait.ge @!p0 [sflag:s0], s1  }
0x89: {  	s1 =	ssub.s32 @!p0 $0x0, s1;
	[sflag:s0] =	ssyncset.done @!p0 $0x0  }
0x8a: {  	[sflag:s0] =	ssyncadd.s32 @!p0 s1  }
0x8b: {  	[bflag:$0x3] =	sbarrier.arrive $0xFFFF  }
0x8c: {  	_ =	shalt  }

</sc_bundles>
